<compile_context>
chip_gen: v7x
topology: tpu7x:2x2x1
jax: 0.10.2.dev20260603
libtpu: 0.0.44.dev20260713+nightly
codegen_flags: <defaults>
</compile_context>

<pallas_src>
import jax
import jax.numpy as jnp
from jax import lax
from jax.experimental import pallas as pl
from jax.experimental.pallas import tpu as pltpu
from jax.experimental.pallas import tpu_sc as plsc

_B = 32


def _sc_gather_body(ts_hbm, sa_hbm, so_hbm, out_hbm,
                    idx_v, out_v, sem, sem2):
    sid = lax.axis_index("s")

    @pl.when(sid == 0)
    def _():
        pltpu.sync_copy(ts_hbm, idx_v)
        g1 = pltpu.async_copy(sa_hbm.at[idx_v], out_v.at[pl.ds(0, _B)], sem)
        g2 = pltpu.async_copy(so_hbm.at[idx_v], out_v.at[pl.ds(_B, _B)], sem2)
        g1.wait()
        g2.wait()
        pltpu.sync_copy(out_v, out_hbm)


def _sc_gather(time_steps, sa_table, so_table):
    mesh = plsc.VectorSubcoreMesh(core_axis_name="c", subcore_axis_name="s",
                                  num_cores=1, num_subcores=1)
    return pl.kernel(
        _sc_gather_body,
        out_type=jax.ShapeDtypeStruct((2 * _B,), jnp.float32),
        mesh=mesh,
        scratch_types=(
            pltpu.VMEM((_B,), jnp.int32),
            pltpu.VMEM((2 * _B,), jnp.float32),
            pltpu.SemaphoreType.DMA,
            pltpu.SemaphoreType.DMA,
        ),
    )(time_steps, sa_table, so_table)


_SAMPLES_PER_BLK = 4


def _tc_combine_body(scal_ref, x0_ref, n_ref, o_ref):
    g = pl.program_id(0)
    for i in range(_SAMPLES_PER_BLK):
        b = g * _SAMPLES_PER_BLK + i
        o_ref[i] = scal_ref[b] * x0_ref[i] + scal_ref[_B + b] * n_ref[i]


def _tc_combine(scal, x0, noise):
    s = _SAMPLES_PER_BLK
    grid = (_B // s,)
    c, h, w = x0.shape[1:]
    blk = pl.BlockSpec((s, c, h, w), lambda g: (g, 0, 0, 0))
    return pl.pallas_call(
        _tc_combine_body,
        grid=grid,
        in_specs=[
            pl.BlockSpec(memory_space=pltpu.SMEM),
            blk,
            blk,
        ],
        out_specs=blk,
        out_shape=jax.ShapeDtypeStruct(x0.shape, jnp.float32),
    )(scal, x0, noise)


@jax.jit
def kernel(x0, noise, time_steps, sqrt_alpha_cumprod, sqrt_one_minus_alpha_cumprod):
    ts = time_steps.astype(jnp.int32)
    scal = _sc_gather(ts, sqrt_alpha_cumprod, sqrt_one_minus_alpha_cumprod)
    return _tc_combine(scal, x0, noise)

# --- scband reference (transcript-rebuilt; emitter-appended) ---
"""Pipeline reference for scband-forward-ddim-57913339020053 (READ-ONLY COPY).

The authoritative reference and input builder live on the scoring server;
editing this copy changes nothing except your own understanding.
"""

import jax, jax.numpy as jnp
import numpy as np

NUM_STEPS = 1000

def _make_schedule():
    betas = jnp.linspace(1e-4, 0.02, NUM_STEPS, dtype=jnp.float32)
    alphas = 1.0 - betas
    alpha_cumprod = jnp.cumprod(alphas)
    sqrt_alpha_cumprod = jnp.sqrt(alpha_cumprod)
    sqrt_one_minus_alpha_cumprod = jnp.sqrt(1.0 - alpha_cumprod)
    return sqrt_alpha_cumprod, sqrt_one_minus_alpha_cumprod

def setup_inputs(seed: int = 0) -> dict:
    key = jax.random.key(seed)
    k1, k2, k3 = jax.random.split(key, 3)
    x0 = jax.random.normal(k1, (32, 3, 224, 224), dtype=jnp.float32)
    noise = jax.random.normal(k2, (32, 3, 224, 224), dtype=jnp.float32)
    time_steps = jax.random.randint(k3, (32,), 0, NUM_STEPS, dtype=jnp.int64 if jax.config.read('jax_enable_x64') else jnp.int32)
    sqrt_alpha_cumprod, sqrt_one_minus_alpha_cumprod = _make_schedule()
    return {
        'x0': x0,
        'noise': noise,
        'time_steps': time_steps,
        'sqrt_alpha_cumprod': sqrt_alpha_cumprod,
        'sqrt_one_minus_alpha_cumprod': sqrt_one_minus_alpha_cumprod,
    }

def reference(x0, noise, time_steps, sqrt_alpha_cumprod, sqrt_one_minus_alpha_cumprod):
    # Embedding-style gather from the noise-schedule tables at the given time steps
    sa_t = jnp.take(sqrt_alpha_cumprod, time_steps, axis=0).reshape(-1, 1, 1, 1)
    so_t = jnp.take(sqrt_one_minus_alpha_cumprod, time_steps, axis=0).reshape(-1, 1, 1, 1)
    xt = sa_t * x0 + so_t * noise
    return xt

if __name__ == "__main__":
    import jax
    _d = setup_inputs()
    print(jax.jit(kernel)(*tuple(_d.values())))

</pallas_src>

<mosaic_0001>
#map = affine_map<(d0, d1) -> (0)>
module attributes {stable_mosaic.version = 14 : i64} {
  func.func @_sc_gather_body(%arg0: i32, %arg1: i32, %arg2: memref<32xi32, #tpu.memory_space<hbm>>, %arg3: memref<1000xf32, #tpu.memory_space<hbm>>, %arg4: memref<1000xf32, #tpu.memory_space<hbm>>, %arg5: memref<64xf32, #tpu.memory_space<hbm>>, %arg6: memref<32xi32, #tpu.memory_space<vmem>>, %arg7: memref<64xf32, #tpu.memory_space<vmem>>, %arg8: memref<!tpu.dma_semaphore, #tpu.memory_space<semaphore_mem>>, %arg9: memref<!tpu.dma_semaphore, #tpu.memory_space<semaphore_mem>>) attributes {dimension_semantics = [#tpu.dimension_semantics<core_parallel>, #tpu.dimension_semantics<subcore_parallel>], iteration_bounds = array<i64: 1, 1>, scalar_prefetch = 0 : i64, scratch_operands = 4 : i64, tpu.core_type = #tpu.core_type<sc_vector_subcore>, window_params = [{transform_indices = #map}, {transform_indices = #map}, {transform_indices = #map}, {transform_indices = #map}]} {
    %eq3A = arith.constant 0 : i32
    %eq3A_0 = arith.cmpi eq, %arg1, %eq3A : i32
    %convert_element_type3A = arith.extui %eq3A_0 : i1 to i32
    %cond3A = arith.constant 0 : i32
    %cond3A_1 = arith.cmpi ne, %convert_element_type3A, %cond3A : i32
    scf.if %cond3A_1 {
      "tpu.region"() ({
        %run_scoped3A = tpu.sem_alloc : memref<!tpu.dma_semaphore, #tpu.memory_space<semaphore_mem>>
        tpu.enqueue_dma source(%arg2 : memref<32xi32, #tpu.memory_space<hbm>>) target(%arg6 : memref<32xi32, #tpu.memory_space<vmem>>) target_semaphore(%run_scoped3A : memref<!tpu.dma_semaphore, #tpu.memory_space<semaphore_mem>>)
        tpu.wait_dma2 semaphore(%run_scoped3A : memref<!tpu.dma_semaphore, #tpu.memory_space<semaphore_mem>>) src(%arg2 : memref<32xi32, #tpu.memory_space<hbm>>) dst(%arg6 : memref<32xi32, #tpu.memory_space<vmem>>)
        tpu.yield
      }) : () -> ()
      %dma_start3A = arith.constant 0 : i32
      %dma_start3A_2 = tpu.memref_slice %arg7[%dma_start3A] : memref<64xf32, #tpu.memory_space<vmem>> -> memref<32xf32, #tpu.memory_space<vmem>>
      %dma_start3A_3 = arith.constant 0 : i32
      %dma_start3A_4 = tpu.memref_slice %arg3[%dma_start3A_3] : memref<1000xf32, #tpu.memory_space<hbm>> -> memref<1000xf32, #tpu.memory_space<hbm>>
      tpu.enqueue_indirect_dma source(%dma_start3A_4 : memref<1000xf32, #tpu.memory_space<hbm>>) target(%dma_start3A_2 : memref<32xf32, #tpu.memory_space<vmem>>) offsets(%arg6 : memref<32xi32, #tpu.memory_space<vmem>>) semaphore(%arg8 : memref<!tpu.dma_semaphore, #tpu.memory_space<semaphore_mem>>)
      %dma_start3A_5 = arith.constant 32 : i32
      %dma_start3A_6 = tpu.memref_slice %arg7[%dma_start3A_5] : memref<64xf32, #tpu.memory_space<vmem>> -> memref<32xf32, #tpu.memory_space<vmem>>
      %dma_start3A_7 = arith.constant 0 : i32
      %dma_start3A_8 = tpu.memref_slice %arg4[%dma_start3A_7] : memref<1000xf32, #tpu.memory_space<hbm>> -> memref<1000xf32, #tpu.memory_space<hbm>>
      tpu.enqueue_indirect_dma source(%dma_start3A_8 : memref<1000xf32, #tpu.memory_space<hbm>>) target(%dma_start3A_6 : memref<32xf32, #tpu.memory_space<vmem>>) offsets(%arg6 : memref<32xi32, #tpu.memory_space<vmem>>) semaphore(%arg9 : memref<!tpu.dma_semaphore, #tpu.memory_space<semaphore_mem>>)
      %dma_wait3A = arith.constant 0 : i32
      %dma_wait3A_9 = tpu.memref_slice %arg7[%dma_wait3A] : memref<64xf32, #tpu.memory_space<vmem>> -> memref<32xf32, #tpu.memory_space<vmem>>
      %dma_wait3A_10 = arith.constant 0 : i32
      %dma_wait3A_11 = tpu.memref_slice %arg3[%dma_wait3A_10] : memref<1000xf32, #tpu.memory_space<hbm>> -> memref<1000xf32, #tpu.memory_space<hbm>>
      tpu.wait_indirect_dma semaphore(%arg8 : memref<!tpu.dma_semaphore, #tpu.memory_space<semaphore_mem>>) src(%dma_wait3A_11 : memref<1000xf32, #tpu.memory_space<hbm>>) dst(%dma_wait3A_9 : memref<32xf32, #tpu.memory_space<vmem>>)
      %dma_wait3A_12 = arith.constant 32 : i32
      %dma_wait3A_13 = tpu.memref_slice %arg7[%dma_wait3A_12] : memref<64xf32, #tpu.memory_space<vmem>> -> memref<32xf32, #tpu.memory_space<vmem>>
      %dma_wait3A_14 = arith.constant 0 : i32
      %dma_wait3A_15 = tpu.memref_slice %arg4[%dma_wait3A_14] : memref<1000xf32, #tpu.memory_space<hbm>> -> memref<1000xf32, #tpu.memory_space<hbm>>
      tpu.wait_indirect_dma semaphore(%arg9 : memref<!tpu.dma_semaphore, #tpu.memory_space<semaphore_mem>>) src(%dma_wait3A_15 : memref<1000xf32, #tpu.memory_space<hbm>>) dst(%dma_wait3A_13 : memref<32xf32, #tpu.memory_space<vmem>>)
      "tpu.region"() ({
        %run_scoped3A = tpu.sem_alloc : memref<!tpu.dma_semaphore, #tpu.memory_space<semaphore_mem>>
        tpu.enqueue_dma source(%arg7 : memref<64xf32, #tpu.memory_space<vmem>>) target(%arg5 : memref<64xf32, #tpu.memory_space<hbm>>) target_semaphore(%run_scoped3A : memref<!tpu.dma_semaphore, #tpu.memory_space<semaphore_mem>>)
        tpu.wait_dma2 semaphore(%run_scoped3A : memref<!tpu.dma_semaphore, #tpu.memory_space<semaphore_mem>>) src(%arg7 : memref<64xf32, #tpu.memory_space<vmem>>) dst(%arg5 : memref<64xf32, #tpu.memory_space<hbm>>)
        tpu.yield
      }) : () -> ()
    } else {
    }
    return
  }
}

module attributes {stable_mosaic.version = 14 : i64} {
  func.func @_tc_combine_body(%arg0: i32, %arg1: memref<64xf32, #tpu.memory_space<smem>>, %arg2: memref<4x3x224x224xf32, #tpu.memory_space<vmem>>, %arg3: memref<4x3x224x224xf32, #tpu.memory_space<vmem>>, %arg4: memref<4x3x224x224xf32, #tpu.memory_space<vmem>>) attributes {dimension_semantics = [#tpu.dimension_semantics<arbitrary>], iteration_bounds = array<i64: 8>, scalar_prefetch = 0 : i64, scratch_operands = 0 : i64, tpu.core_type = #tpu.core_type<tc>, window_params = [{transform_indices = @transform_0, window_bounds = array<i64: 64>}, {transform_indices = @transform_1, window_bounds = array<i64: 4, 3, 224, 224>}, {transform_indices = @transform_2, window_bounds = array<i64: 4, 3, 224, 224>}, {transform_indices = @transform_3, window_bounds = array<i64: 4, 3, 224, 224>}]} {
    %mul3A = arith.constant 4 : i32
    %mul3A_0 = arith.muli %arg0, %mul3A : i32
    %add3A = arith.constant 0 : i32
    %add3A_1 = arith.addi %mul3A_0, %add3A : i32
    %get3A = arith.index_cast %add3A_1 : i32 to index
    %get3A_2 = memref.load %arg1[%get3A] : memref<64xf32, #tpu.memory_space<smem>>
    %get3A_3 = arith.constant 0 : index
    %get3A_4 = arith.constant 0 : index
    %get3A_5 = arith.constant 0 : index
    %get3A_6 = arith.constant 0 : index
    %get3A_7 = vector.load %arg2[%get3A_3, %get3A_4, %get3A_5, %get3A_6] : memref<4x3x224x224xf32, #tpu.memory_space<vmem>>, vector<1x3x224x224xf32>
    %get3A_8 = vector.shape_cast %get3A_7 : vector<1x3x224x224xf32> to vector<3x224x224xf32>
    %mul3A_9 = vector.broadcast %get3A_2 : f32 to vector<3x224x224xf32>
    %mul3A_10 = arith.mulf %mul3A_9, %get3A_8 : vector<3x224x224xf32>
    %add3A_11 = arith.constant 32 : i32
    %add3A_12 = arith.addi %add3A_11, %add3A_1 : i32
    %get3A_13 = arith.index_cast %add3A_12 : i32 to index
    %get3A_14 = memref.load %arg1[%get3A_13] : memref<64xf32, #tpu.memory_space<smem>>
    %get3A_15 = arith.constant 0 : index
    %get3A_16 = arith.constant 0 : index
    %get3A_17 = arith.constant 0 : index
    %get3A_18 = arith.constant 0 : index
    %get3A_19 = vector.load %arg3[%get3A_15, %get3A_16, %get3A_17, %get3A_18] : memref<4x3x224x224xf32, #tpu.memory_space<vmem>>, vector<1x3x224x224xf32>
    %get3A_20 = vector.shape_cast %get3A_19 : vector<1x3x224x224xf32> to vector<3x224x224xf32>
    %mul3A_21 = vector.broadcast %get3A_14 : f32 to vector<3x224x224xf32>
    %mul3A_22 = arith.mulf %mul3A_21, %get3A_20 : vector<3x224x224xf32>
    %add3A_23 = arith.addf %mul3A_10, %mul3A_22 : vector<3x224x224xf32>
    %swap3A = arith.constant 0 : index
    %swap3A_24 = arith.constant 0 : index
    %swap3A_25 = arith.constant 0 : index
    %swap3A_26 = arith.constant 0 : index
    %swap3A_27 = vector.load %arg4[%swap3A, %swap3A_24, %swap3A_25, %swap3A_26] : memref<4x3x224x224xf32, #tpu.memory_space<vmem>>, vector<1x3x224x224xf32>
    %swap3A_28 = vector.shape_cast %swap3A_27 : vector<1x3x224x224xf32> to vector<3x224x224xf32>
    %swap3A_29 = vector.shape_cast %add3A_23 : vector<3x224x224xf32> to vector<1x3x224x224xf32>
    tpu.vector_store %arg4[%swap3A, %swap3A_24, %swap3A_25, %swap3A_26], %swap3A_29 {strides = array<i32>} : memref<4x3x224x224xf32, #tpu.memory_space<vmem>>, vector<1x3x224x224xf32>,
    %mul3A_30 = arith.constant 4 : i32
    %mul3A_31 = arith.muli %arg0, %mul3A_30 : i32
    %add3A_32 = arith.constant 1 : i32
    %add3A_33 = arith.addi %mul3A_31, %add3A_32 : i32
    %get3A_34 = arith.index_cast %add3A_33 : i32 to index
    %get3A_35 = memref.load %arg1[%get3A_34] : memref<64xf32, #tpu.memory_space<smem>>
    %get3A_36 = arith.constant 1 : index
    %get3A_37 = arith.constant 0 : index
    %get3A_38 = arith.constant 0 : index
    %get3A_39 = arith.constant 0 : index
    %get3A_40 = vector.load %arg2[%get3A_36, %get3A_37, %get3A_38, %get3A_39] : memref<4x3x224x224xf32, #tpu.memory_space<vmem>>, vector<1x3x224x224xf32>
    %get3A_41 = vector.shape_cast %get3A_40 : vector<1x3x224x224xf32> to vector<3x224x224xf32>
    %mul3A_42 = vector.broadcast %get3A_35 : f32 to vector<3x224x224xf32>
    %mul3A_43 = arith.mulf %mul3A_42, %get3A_41 : vector<3x224x224xf32>
    %add3A_44 = arith.constant 32 : i32
    %add3A_45 = arith.addi %add3A_44, %add3A_33 : i32
    %get3A_46 = arith.index_cast %add3A_45 : i32 to index
    %get3A_47 = memref.load %arg1[%get3A_46] : memref<64xf32, #tpu.memory_space<smem>>
    %get3A_48 = arith.constant 1 : index
    %get3A_49 = arith.constant 0 : index
    %get3A_50 = arith.constant 0 : index
    %get3A_51 = arith.constant 0 : index
    %get3A_52 = vector.load %arg3[%get3A_48, %get3A_49, %get3A_50, %get3A_51] : memref<4x3x224x224xf32, #tpu.memory_space<vmem>>, vector<1x3x224x224xf32>
    %get3A_53 = vector.shape_cast %get3A_52 : vector<1x3x224x224xf32> to vector<3x224x224xf32>
    %mul3A_54 = vector.broadcast %get3A_47 : f32 to vector<3x224x224xf32>
    %mul3A_55 = arith.mulf %mul3A_54, %get3A_53 : vector<3x224x224xf32>
    %add3A_56 = arith.addf %mul3A_43, %mul3A_55 : vector<3x224x224xf32>
    %swap3A_57 = arith.constant 1 : index
    %swap3A_58 = arith.constant 0 : index
    %swap3A_59 = arith.constant 0 : index
    %swap3A_60 = arith.constant 0 : index
    %swap3A_61 = vector.load %arg4[%swap3A_57, %swap3A_58, %swap3A_59, %swap3A_60] : memref<4x3x224x224xf32, #tpu.memory_space<vmem>>, vector<1x3x224x224xf32>
    %swap3A_62 = vector.shape_cast %swap3A_61 : vector<1x3x224x224xf32> to vector<3x224x224xf32>
    %swap3A_63 = vector.shape_cast %add3A_56 : vector<3x224x224xf32> to vector<1x3x224x224xf32>
    tpu.vector_store %arg4[%swap3A_57, %swap3A_58, %swap3A_59, %swap3A_60], %swap3A_63 {strides = array<i32>} : memref<4x3x224x224xf32, #tpu.memory_space<vmem>>, vector<1x3x224x224xf32>,
    %mul3A_64 = arith.constant 4 : i32
    %mul3A_65 = arith.muli %arg0, %mul3A_64 : i32
    %add3A_66 = arith.constant 2 : i32
    %add3A_67 = arith.addi %mul3A_65, %add3A_66 : i32
    %get3A_68 = arith.index_cast %add3A_67 : i32 to index
    %get3A_69 = memref.load %arg1[%get3A_68] : memref<64xf32, #tpu.memory_space<smem>>
    %get3A_70 = arith.constant 2 : index
    %get3A_71 = arith.constant 0 : index
    %get3A_72 = arith.constant 0 : index
    %get3A_73 = arith.constant 0 : index
    %get3A_74 = vector.load %arg2[%get3A_70, %get3A_71, %get3A_72, %get3A_73] : memref<4x3x224x224xf32, #tpu.memory_space<vmem>>, vector<1x3x224x224xf32>
    %get3A_75 = vector.shape_cast %get3A_74 : vector<1x3x224x224xf32> to vector<3x224x224xf32>
    %mul3A_76 = vector.broadcast %get3A_69 : f32 to vector<3x224x224xf32>
    %mul3A_77 = arith.mulf %mul3A_76, %get3A_75 : vector<3x224x224xf32>
    %add3A_78 = arith.constant 32 : i32
    %add3A_79 = arith.addi %add3A_78, %add3A_67 : i32
    %get3A_80 = arith.index_cast %add3A_79 : i32 to index
    %get3A_81 = memref.load %arg1[%get3A_80] : memref<64xf32, #tpu.memory_space<smem>>
    %get3A_82 = arith.constant 2 : index
    %get3A_83 = arith.constant 0 : index
    %get3A_84 = arith.constant 0 : index
    %get3A_85 = arith.constant 0 : index
    %get3A_86 = vector.load %arg3[%get3A_82, %get3A_83, %get3A_84, %get3A_85] : memref<4x3x224x224xf32, #tpu.memory_space<vmem>>, vector<1x3x224x224xf32>
    %get3A_87 = vector.shape_cast %get3A_86 : vector<1x3x224x224xf32> to vector<3x224x224xf32>
    %mul3A_88 = vector.broadcast %get3A_81 : f32 to vector<3x224x224xf32>
    %mul3A_89 = arith.mulf %mul3A_88, %get3A_87 : vector<3x224x224xf32>
    %add3A_90 = arith.addf %mul3A_77, %mul3A_89 : vector<3x224x224xf32>
    %swap3A_91 = arith.constant 2 : index
    %swap3A_92 = arith.constant 0 : index
    %swap3A_93 = arith.constant 0 : index
    %swap3A_94 = arith.constant 0 : index
    %swap3A_95 = vector.load %arg4[%swap3A_91, %swap3A_92, %swap3A_93, %swap3A_94] : memref<4x3x224x224xf32, #tpu.memory_space<vmem>>, vector<1x3x224x224xf32>
    %swap3A_96 = vector.shape_cast %swap3A_95 : vector<1x3x224x224xf32> to vector<3x224x224xf32>
    %swap3A_97 = vector.shape_cast %add3A_90 : vector<3x224x224xf32> to vector<1x3x224x224xf32>
    tpu.vector_store %arg4[%swap3A_91, %swap3A_92, %swap3A_93, %swap3A_94], %swap3A_97 {strides = array<i32>} : memref<4x3x224x224xf32, #tpu.memory_space<vmem>>, vector<1x3x224x224xf32>,
    %mul3A_98 = arith.constant 4 : i32
    %mul3A_99 = arith.muli %arg0, %mul3A_98 : i32
    %add3A_100 = arith.constant 3 : i32
    %add3A_101 = arith.addi %mul3A_99, %add3A_100 : i32
    %get3A_102 = arith.index_cast %add3A_101 : i32 to index
    %get3A_103 = memref.load %arg1[%get3A_102] : memref<64xf32, #tpu.memory_space<smem>>
    %get3A_104 = arith.constant 3 : index
    %get3A_105 = arith.constant 0 : index
    %get3A_106 = arith.constant 0 : index
    %get3A_107 = arith.constant 0 : index
    %get3A_108 = vector.load %arg2[%get3A_104, %get3A_105, %get3A_106, %get3A_107] : memref<4x3x224x224xf32, #tpu.memory_space<vmem>>, vector<1x3x224x224xf32>
    %get3A_109 = vector.shape_cast %get3A_108 : vector<1x3x224x224xf32> to vector<3x224x224xf32>
    %mul3A_110 = vector.broadcast %get3A_103 : f32 to vector<3x224x224xf32>
    %mul3A_111 = arith.mulf %mul3A_110, %get3A_109 : vector<3x224x224xf32>
    %add3A_112 = arith.constant 32 : i32
    %add3A_113 = arith.addi %add3A_112, %add3A_101 : i32
    %get3A_114 = arith.index_cast %add3A_113 : i32 to index
    %get3A_115 = memref.load %arg1[%get3A_114] : memref<64xf32, #tpu.memory_space<smem>>
    %get3A_116 = arith.constant 3 : index
    %get3A_117 = arith.constant 0 : index
    %get3A_118 = arith.constant 0 : index
    %get3A_119 = arith.constant 0 : index
    %get3A_120 = vector.load %arg3[%get3A_116, %get3A_117, %get3A_118, %get3A_119] : memref<4x3x224x224xf32, #tpu.memory_space<vmem>>, vector<1x3x224x224xf32>
    %get3A_121 = vector.shape_cast %get3A_120 : vector<1x3x224x224xf32> to vector<3x224x224xf32>
    %mul3A_122 = vector.broadcast %get3A_115 : f32 to vector<3x224x224xf32>
    %mul3A_123 = arith.mulf %mul3A_122, %get3A_121 : vector<3x224x224xf32>
    %add3A_124 = arith.addf %mul3A_111, %mul3A_123 : vector<3x224x224xf32>
    %swap3A_125 = arith.constant 3 : index
    %swap3A_126 = arith.constant 0 : index
    %swap3A_127 = arith.constant 0 : index
    %swap3A_128 = arith.constant 0 : index
    %swap3A_129 = vector.load %arg4[%swap3A_125, %swap3A_126, %swap3A_127, %swap3A_128] : memref<4x3x224x224xf32, #tpu.memory_space<vmem>>, vector<1x3x224x224xf32>
    %swap3A_130 = vector.shape_cast %swap3A_129 : vector<1x3x224x224xf32> to vector<3x224x224xf32>
    %swap3A_131 = vector.shape_cast %add3A_124 : vector<3x224x224xf32> to vector<1x3x224x224xf32>
    tpu.vector_store %arg4[%swap3A_125, %swap3A_126, %swap3A_127, %swap3A_128], %swap3A_131 {strides = array<i32>} : memref<4x3x224x224xf32, #tpu.memory_space<vmem>>, vector<1x3x224x224xf32>,
    return
  }
  func.func @transform_0(%arg0: i32) -> i32 {
    %c0_i32 = arith.constant 0 : i32
    %c0_i32_0 = arith.constant 0 : i32
    return %c0_i32 : i32
  }
  func.func @transform_1(%arg0: i32) -> (i32, i32, i32, i32) {
    %c0_i32 = arith.constant 0 : i32
    %c0_i32_0 = arith.constant 0 : i32
    %c0_i32_1 = arith.constant 0 : i32
    %c0_i32_2 = arith.constant 0 : i32
    return %arg0, %c0_i32, %c0_i32_0, %c0_i32_1 : i32, i32, i32, i32
  }
  func.func @transform_2(%arg0: i32) -> (i32, i32, i32, i32) {
    %c0_i32 = arith.constant 0 : i32
    %c0_i32_0 = arith.constant 0 : i32
    %c0_i32_1 = arith.constant 0 : i32
    %c0_i32_2 = arith.constant 0 : i32
    return %arg0, %c0_i32, %c0_i32_0, %c0_i32_1 : i32, i32, i32, i32
  }
  func.func @transform_3(%arg0: i32) -> (i32, i32, i32, i32) {
    %c0_i32 = arith.constant 0 : i32
    %c0_i32_0 = arith.constant 0 : i32
    %c0_i32_1 = arith.constant 0 : i32
    %c0_i32_2 = arith.constant 0 : i32
    return %arg0, %c0_i32, %c0_i32_0, %c0_i32_1 : i32, i32, i32, i32
  }
}

</mosaic_0001>

<sc_bundles>
// kernel: kernel.4.cloned.1.call-start
scs
__scs_entry_jumppad:
0x0: {  	(pc) =	sbr.rel $0x88, $3  }
0x1: {  	(tag) =	ssettag $0x0;
	lr =	simm.s32 $0x1  }
0x2: {  	[smem:$0x3F9C] =	sst lr;
	_ =	strace $0xD0000000  }
0x3: {  	_ = 	snop  }
0x4: {  	_ = 	snop  }
0x5: {  	_ = 	snop  }
0x6: {  	_ = 	snop  }
0x7: {  	_ = 	snop  }
__scs_overlays_trampoline_lowered:
0x8: {  	[smem:$0x3FAB] =	sst s0  }
0x9: {  	[smem:$0x3FAC] =	sst s1  }
0xa: {  	[smem:$0x3FAD] =	sst s2  }
0xb: {  	[smem:$0x3FAE] =	sst s3  }
0xc: {  	[smem:$0x3FAF] =	sst s4  }
0xd: {  	[smem:$0x3FB0] =	sst s5  }
0xe: {  	[smem:$0x3FB1] =	sst s6  }
0xf: {  	[smem:$0x3FB2] =	sst s7  }
0x10: {  	[smem:$0x3FB3] =	sst s8  }
0x11: {  	[smem:$0x3FB4] =	sst s9;
	s0 =	simm.s32 @!p0 $0x0  }
0x12: {  	s1 =	sld [smem:$0x3F9A];
	s0 =	simm.s32 @p0 $0x1  }
0x13: {  	[smem:$0x3FB5] =	sst s0;
	s0 =	simm.s32 @!p1 $0x0  }
0x14: {  	s2 =	sld [smem:$0x3F99];
	s0 =	simm.s32 @p1 $0x1  }
0x15: {  	[smem:$0x3FB6] =	sst s0;
	s0 =	simm.s32 @!p2 $0x0  }
0x16: {  	s3 =	sld [smem:$0x3FDB];
	s0 =	simm.s32 @p2 $0x1  }
0x17: {  	s4 =	simm.s32 $0x1BF5;
	[smem:$0x3FB8] =	sst s0  }
0x18: {  	s0 =	sld [smem:$0x3F9B];
	_ =	swait.ge [sflag:s4], $0x0  }
0x19: {  	s7 =	sld [smem:$0x3F9C]  }
0x1a: {  	s8 =	sadd.s32 $0xFFFFE003, lr  }
0x1b: {  	s9 =	sadd.s32 $0xFFFFFEF7, lr;
	s5 =	simm.s32 $0xFFFFFFFF;
	p2 =	slt.u32 s8, $0xFFFFF086  }
0x1c: {  	p1 =	slt.u32 s9, $0xF7A;
	s5 =	simm.s32 @!p2 $0x0  }
0x1d: {  	s5 =	simm.s32 @p1 $0x1;
	p0 =	seq.s32 s7, s2  }
0x1e: {  	s7 =	smul.u32 @!p0 $0xF7A, s2;
	p2 =	seq.s32 @!p0 s5, $0x0  }
0x1f: {  	s9 =	smul.u32 $0xF7A, s1;
	s8 =	simm.s32 @!p0 $0x1BF5;
	p2 =	por !p2, p0  }
0x20: {  	[sflag:s8] =	ssyncset.s32 @!p0 $0xFFFFF086;
	s6 =	sadd.s32 @!p0 s3, s7;
	s7 =	simm.s32 @!p0 $0x108  }
0x21: {  	s3 =	sadd.s32 s3, s9;
	s6 =	sadd.s32 @!p0 $0x88, s6;
	s7 =	simm.s32 @p2 $0x1082  }
0x22: {  	[simem:s7], [sflag:s8] =	dma.local @!p0 [hbm:s6], $0xF7A  }
0x23: {  	s9 =	sor.u32 $0xD0000000, s2;
	s6 =	simm.s32 $0x108;
	_ =	swait.ge @!p0 [sflag:s8], $0x0  }
0x24: {  	s3 =	sadd.s32 $0x88, s3;
	s6 =	simm.s32 @!p1 $0x1082;
	[sflag:s4] =	ssyncset.s32 $0xFFFFF086  }
0x25: {  	[simem:s6], [sflag:s4] =	dma.local [hbm:s3], $0xF7A  }
0x26: {  	[smem:$0x3F9C] =	sst s1;
	(tag) =	ssettag s2;
	_ =	strace s9  }
0x27: {  	s1 =	sld [smem:$0x3FAC]  }
0x28: {  	s2 =	sld [smem:$0x3FAD]  }
0x29: {  	s4 =	sld [smem:$0x3FAF]  }
0x2a: {  	p0 =	seq.s32 s5, $0x0;
	s5 =	sld [smem:$0x3FB0]  }
0x2b: {  	s6 =	sld [smem:$0x3FB1]  }
0x2c: {  	s7 =	sld [smem:$0x3FB2]  }
0x2d: {  	s3 =	simm.s32 $0x108;
	s8 =	sld [smem:$0x3FB3]  }
0x2e: {  	s3 =	simm.s32 @!p0 $0x1082;
	s9 =	sld [smem:$0x3FB4]  }
0x2f: {  	lr =	sadd.s32 s0, s3;
	s0 =	sld [smem:$0x3FAB]  }
0x30: {  	s3 =	sld [smem:$0x3FAE]  }
0x31: {  	[smem:$0x3FB7] =	sst s10  }
0x32: {  	s10 =	sld [smem:$0x3FB5];
	_ =	sdelay $0x3  }
0x33: {  	p0 =	seq.s32 s10, $0x1;
	s10 =	sld [smem:$0x3FB7];
	_ =	sdelay $0x3  }
0x34: {  	[smem:$0x3FB7] =	sst s10  }
0x35: {  	s10 =	sld [smem:$0x3FB6];
	_ =	sdelay $0x3  }
0x36: {  	p1 =	seq.s32 s10, $0x1;
	s10 =	sld [smem:$0x3FB7];
	_ =	sdelay $0x3  }
0x37: {  	[smem:$0x3FB7] =	sst s10  }
0x38: {  	s10 =	sld [smem:$0x3FB8]  }
0x39: {  	_ = 	snop;
	(pc) =	sbr.ind lr, $3  }
0x3a: {  	_ = 	snop  }
0x3b: {  	_ = 	snop  }
0x3c: {  	p2 =	seq.s32 s10, $0x1;
	s10 =	sld [smem:$0x3FB7]  }
0x3d: {  	_ =	shalt  }
0x3e: {  	_ =	shalt  }
0x3f: {  	_ =	shalt  }
0x40: {  	_ =	shalt  }
0x41: {  	_ =	shalt  }
0x42: {  	_ =	shalt  }
0x43: {  	_ =	shalt  }
0x44: {  	_ =	shalt  }
0x45: {  	_ =	shalt  }
0x46: {  	_ =	shalt  }
0x47: {  	_ =	shalt  }
0x48: {  	_ =	shalt  }
0x49: {  	_ =	shalt  }
0x4a: {  	_ =	shalt  }
0x4b: {  	_ =	shalt  }
0x4c: {  	_ =	shalt  }
0x4d: {  	_ =	shalt  }
0x4e: {  	_ =	shalt  }
0x4f: {  	_ =	shalt  }
0x50: {  	_ =	shalt  }
0x51: {  	_ =	shalt  }
0x52: {  	_ =	shalt  }
0x53: {  	_ =	shalt  }
0x54: {  	_ =	shalt  }
0x55: {  	_ =	shalt  }
0x56: {  	_ =	shalt  }
0x57: {  	_ =	shalt  }
0x58: {  	_ =	shalt  }
0x59: {  	_ =	shalt  }
0x5a: {  	_ =	shalt  }
0x5b: {  	_ =	shalt  }
0x5c: {  	_ =	shalt  }
0x5d: {  	_ =	shalt  }
0x5e: {  	_ =	shalt  }
0x5f: {  	_ =	shalt  }
0x60: {  	_ =	shalt  }
0x61: {  	_ =	shalt  }
0x62: {  	_ =	shalt  }
0x63: {  	_ =	shalt  }
0x64: {  	_ =	shalt  }
0x65: {  	_ =	shalt  }
0x66: {  	_ =	shalt  }
0x67: {  	_ =	shalt  }
0x68: {  	_ =	shalt  }
0x69: {  	_ =	shalt  }
0x6a: {  	_ =	shalt  }
0x6b: {  	_ =	shalt  }
0x6c: {  	_ =	shalt  }
0x6d: {  	_ =	shalt  }
0x6e: {  	_ =	shalt  }
0x6f: {  	_ =	shalt  }
0x70: {  	_ =	shalt  }
0x71: {  	_ =	shalt  }
0x72: {  	_ =	shalt  }
0x73: {  	_ =	shalt  }
0x74: {  	_ =	shalt  }
0x75: {  	_ =	shalt  }
0x76: {  	_ =	shalt  }
0x77: {  	_ =	shalt  }
0x78: {  	_ =	shalt  }
0x79: {  	_ =	shalt  }
0x7a: {  	_ =	shalt  }
0x7b: {  	_ =	shalt  }
0x7c: {  	_ =	shalt  }
0x7d: {  	_ =	shalt  }
0x7e: {  	_ =	shalt  }
0x7f: {  	_ =	shalt  }
0x80: {  	_ =	shalt  }
0x81: {  	_ =	shalt  }
0x82: {  	_ =	shalt  }
0x83: {  	_ =	shalt  }
0x84: {  	_ =	shalt  }
0x85: {  	_ =	shalt  }
0x86: {  	_ =	shalt  }
0x87: {  	_ =	shalt  }
.Lfunc_end0:
.L_simem_size_0:
called_computation_lowered:
.L_overlay_start_0:
0x88: {  	s0 =	sld [smem:$0x3FD9]  }
0x89: {  	s1 =	sld [smem:$0x3FFE];
	_ =	sdelay $0x3  }
0x8a: {  	s0 =	sadd.s32 s1, s0  }
0x8b: {  	[smem:$0x3FC3] =	sst s0  }
0x8c: {  	_ = 	snop  }
0x8d: {  	s0 =	sld [smem:$0x3FC7]  }
0x8e: {  	s17 =	sld [smem:$0x3FC6]  }
0x8f: {  	s2 =	sld [smem:$0x3FC5]  }
0x90: {  	s3 =	sld [smem:$0x3FD0];
	(tm) =	ssettm $0x1  }
0x91: {  	s4 =	sld [smem:$0x3FFB];
	_ =	sdelay $0x3  }
0x92: {  	_ =	strace s4  }
0x93: {  	s4 =	sld [smem:$0x3FFC];
	_ =	sdelay $0x3  }
0x94: {  	_ =	strace s4  }
0x95: {  	s4 =	sld [smem:$0x3FFD];
	_ =	sdelay $0x3  }
0x96: {  	_ =	strace s4  }
0x97: {  	_ =	strace $0x8FFFFFFF  }
0x98: {  	s18 =	sld [smem:$0x3FDB];
	_ =	sdelay $0x1  }
0x99: {  	s5 =	simm.s32 $_scs_section_size  }
0x9a: {  	s6 =	simm.s32 $_size__tile_overlayer_lowered;
	s7 =	simm.s32 $_tile_overlayer_lowered  }
0x9b: {  	s21 =	simm.s32 $0x1BFF;
	s20 =	sshll.u32 s7, $0x1;
	s4 =	sadd.s32 s5, s18  }
0x9c: {  	s8 =	simm.s32 $0x0;
	s19 =	sshll.u32 s6, $0x1;
	s6 =	sadd.s32 s20, s4  }
0x9d: {  	[timem:s8], [sflag:s21] =	dma.local [hbm:s6], s19  }
0x9e: {  	_ =	swait.ge [sflag:s21], s19  }
0x9f: {  	s5 =	ssub.s32 $0x0, s19;
	[sflag:s21] =	ssyncset.done $0x0  }
0xa0: {  	[sflag:s21] =	ssyncadd.s32 s5;
	_ =	sdelay $0x1  }
0xa1: {  	s22 =	simm.s32 $0x1B8B  }
0xa2: {  	_ =	swait.ge [sflag:s22], $0x1  }
0xa3: {  	[sflag:s22] =	ssyncset.done $0x0  }
0xa4: {  	s23 =	simm.s32 $0x1B8E;
	[sflag:s22] =	ssyncadd.s32 $0xFFFFFFFF  }
0xa5: {  	s24 =	simm.s32 $execute0_lowered;
	[smem:$0x3FD2] =	sst s23  }
0xa6: {  	s5 =	sshll.u32 s24, $0x1;
	_ =	strace $0x80000046;
	[dreg:$0x1] =	wrdreg $0xFFFFFFFF  }
0xa7: {  	s25 =	simm.s32 $_size_execute0_lowered;
	s4 =	sadd.s32 s4, s5;
	[dreg:$0x0] =	wrdreg $0x0  }
0xa8: {  	s5 =	sshll.u32 s25, $0x1;
	[dreg:$0x2] =	wrdreg s4  }
0xa9: {  	[dreg:$0x3] =	wrdreg s5  }
0xaa: {  	[dreg:$0x4] =	wrdreg $0xC0  }
0xab: {  	_ =	task [dreg:s8], $0x5FFFF  }
0xac: {  	[dreg:$0x1] =	wrdreg $0xFFFFFFFF  }
0xad: {  	[dreg:$0x0] =	wrdreg $0x60  }
0xae: {  	[dreg:$0x2] =	wrdreg s0  }
0xaf: {  	[dreg:$0x3] =	wrdreg s17  }
0xb0: {  	[dreg:$0x4] =	wrdreg s2  }
0xb1: {  	[dreg:$0x5] =	wrdreg s3  }
0xb2: {  	[dreg:$0x6] =	wrdreg $0x9  }
0xb3: {  	_ =	task.clear_ibuf [dreg:s8], $0x7FFFF;
	_ =	strace $0x90000046  }
0xb4: {  	s26 =	simm.s32 $0x9;
	_ =	strace $0x80000048  }
0xb5: {  	_ =	swait.ge [sflag:s26], $0x1  }
0xb6: {  	[sflag:s26] =	ssyncadd.s32 $0xFFFFFFFF  }
0xb7: {  	_ =	strace $0x90000048  }
0xb8: {  	_ =	sfence  }
0xb9: {  	s28 =	sld [smem:$0x0];
	_ =	sdelay $0x1  }
0xba: {  	s29 =	srdreg.scid  }
0xbb: {  	s30 =	sshll.u32 s29, $0xD;
	s31 =	sshrl.u32 s29, $0x2  }
0xbc: {  	s1 =	sand.u32 $0x1, s29;
	s2 =	sand.u32 $0x4000, s30;
	s0 =	sadd.s32 s31, s28  }
0xbd: {  	s1 =	sor.u32 s2, s1;
	s0 =	sshll.u32 s0, $0x11  }
0xbe: {  	s0 =	sor.u32 s0, s1  }
0xbf: {  	s0 =	sadd.s32 $0x8F2B, s0  }
0xc0: {  	[sflag:s0] =	ssyncadd.remote.s32 $0x1  }
0xc1: {  	_ =	sfence.sel $0xFFFF  }
0xc2: {  	[dreg:$0x0] =	wrdreg $0xFFFFFFFF;
	(pc) =	sbr.abs _section_cstart, $3  }
0xc3: {  	[dreg:$0x1] =	wrdreg $0xFFFFFFFF  }
0xc4: {  	_ =	task.clear_ibuf [dreg:s8], $0x2FFFF;
	_ =	strace $0x9FFFFFFF  }
0xc5: {  	(tm) =	ssettm $0x7FFFFFFF  }
tec
execute0_lowered:
.L_overlay_start_1:
0x0: {  	(tag) =	ssettag $0x1  }
0x1: {  	s0 =	rddreg [dreg:$0x0]  }
0x2: {  	s1 =	rddreg [dreg:$0x1]  }
0x3: {  	s2 =	rddreg [dreg:$0x2];
	s4 =	stileid.u32  }
0x4: {  	s3 =	rddreg [dreg:$0x3];
	p0 =	sne.s32 s4, $0x0  }
0x5: {  	s5 =	rddreg [dreg:$0x4];
	_ =	strace $0x80000047;
	s4 =	simm.s32 @!p0 $0x0  }
0x6: {  	[tilespmem:s4], [sflag:$0x3] =	stream.linear.gather @!p0 [hbm4b:s0+s4], $0x80, $0x38;
	[tilespmem:$0x100] =	vst v63  }
0x7: {  	s0 =	simm.s32 @!p0 $0x3  }
0x8: {  	_ =	swait.ge @!p0 [sflag:s0], $0x80  }
0x9: {  	[sflag:s0] =	ssyncset.done @!p0 $0x0  }
0xa: {  	s6 =	simm.s32 @!p0 $0x20;
	s7 =	simm.s32 @!p0 $0x80;
	[sflag:s0] =	ssyncadd.s32 @!p0 $0xFFFFFF80  }
0xb: {  	[tilespmem:s7], [sflag:$0x1] =	stream.indirect.gather @!p0 [hbm4b:s1+s6], $0x1, s4, s6, $0xb8;
	[tilespmem:$0x100] =	vst v63  }
0xc: {  	s1 =	simm.s32 @!p0 $0xA0  }
0xd: {  	[tilespmem:s1], [sflag:$0x2] =	stream.indirect.gather @!p0 [hbm4b:s2+s6], $0x1, s4, s6, $0xb8;
	[tilespmem:$0x100] =	vst v63  }
0xe: {  	s1 =	simm.s32 @!p0 $0x1  }
0xf: {  	_ =	swait.ge @!p0 [sflag:s1], $0x20  }
0x10: {  	[sflag:s1] =	ssyncset.done @!p0 $0x0  }
0x11: {  	[sflag:s1] =	ssyncadd.s32 @!p0 $0xFFFFFFE0;
	s1 =	simm.s32 @!p0 $0x2  }
0x12: {  	_ =	swait.ge @!p0 [sflag:s1], $0x20  }
0x13: {  	[sflag:s1] =	ssyncset.done @!p0 $0x0  }
0x14: {  	[sflag:s1] =	ssyncadd.s32 @!p0 $0xFFFFFFE0  }
0x15: {  	[hbm4b:s3+s4] =	stream.linear.scatter @!p0 [tilespmem:s7], [sflag:$0x3], $0x80, $0x38;
	[tilespmem:$0x100] =	vst v63  }
0x16: {  	_ =	swait.ge @!p0 [sflag:s0], $0x80  }
0x17: {  	[sflag:s0] =	ssyncset.done @!p0 $0x0  }
0x18: {  	[sflag:s0] =	ssyncadd.s32 @!p0 $0xFFFFFF80  }
0x19: {  	_ =	sfence.sel $0x180000  }
0x1a: {  	[bflag:$0x0] =	sbarrier.arrive $0xFFFF  }
0x1b: {  	_ =	strace $0x90000047  }
0x1c: {  	s0 =	sadd.s32 @!p0 $0x100000, s5;
	[bflag:$0x2] =	sbarrier.arrive $0xFFFF  }
0x1d: {  	[sflag:s0] =	ssyncadd.tile.s32 @!p0 $0x1;
	_ =	shalt  }
.Lfunc_end2:
_tile_overlayer_lowered:
.L_overlay_start_2:
0x1e: {  	(tag) =	ssettag $0x2  }
0x1f: {  	s0 =	rddreg [dreg:$0x0];
	s2 =	stileid.u32  }
0x20: {  	s1 =	rddreg [dreg:$0x1];
	p0 =	sne.s32 s2, $0x0  }
0x21: {  	s3 =	rddreg [dreg:$0x2];
	[bflag:$0x3] =	sbarrier.arrive $0xFFFF;
	s2 =	simm.s32 @!p0 $0x1C03  }
0x22: {  	[timem:s3], [sflag:s2] =	dma.local @!p0 [hbm:s0], s1  }
0x23: {  	s0 =	simm.s32 @!p0 $0x3  }
0x24: {  	_ =	swait.ge @!p0 [sflag:s0], s1  }
0x25: {  	s1 =	ssub.s32 @!p0 $0x0, s1;
	[sflag:s0] =	ssyncset.done @!p0 $0x0  }
0x26: {  	[sflag:s0] =	ssyncadd.s32 @!p0 s1  }
0x27: {  	[bflag:$0x3] =	sbarrier.arrive $0xFFFF  }
0x28: {  	_ =	shalt  }

</sc_bundles>
